<compile_context>
chip_gen: v7x
topology: tpu7x:2x2x1
jax: 0.10.2.dev20260603
libtpu: 0.0.44.dev20260713+nightly
codegen_flags: <defaults>
</compile_context>

<pallas_src>
import functools

import jax
import jax.numpy as jnp
from jax import lax
from jax.experimental import pallas as pl
from jax.experimental.pallas import tpu as pltpu
from jax.experimental.pallas import tpu_sc as plsc

_MAX_LEN = 8192
_PE_DIM = 128
_D_MODEL = 1024
_BATCH = 4
_OUT_D = _D_MODEL + _PE_DIM

_NW = 32
_ROWS_PER_W = _BATCH * _MAX_LEN // _NW
_CHUNK = 32
_NCHUNK = _ROWS_PER_W // _CHUNK


@functools.partial(
    pl.kernel,
    mesh=plsc.VectorSubcoreMesh(core_axis_name="c", subcore_axis_name="s"),
    out_type=jax.ShapeDtypeStruct((_BATCH * _MAX_LEN, _OUT_D), jnp.float32),
    scratch_types=[
        pltpu.VMEM((_CHUNK, _D_MODEL), jnp.float32),
        pltpu.VMEM((_CHUNK, _D_MODEL), jnp.float32),
        pltpu.VMEM((_CHUNK, _PE_DIM), jnp.float32),
        pltpu.VMEM((_CHUNK, _PE_DIM), jnp.float32),
        pltpu.SemaphoreType.DMA,
        pltpu.SemaphoreType.DMA,
    ],
)
def _sc_concat(x_hbm, pe_hbm, out_hbm, bx0, bx1, bp0, bp1, sem_i, sem_o):
    wid = lax.axis_index("s") * 2 + lax.axis_index("c")
    base = wid * _ROWS_PER_W
    t0 = base % _MAX_LEN
    bx = (bx0, bx1)
    bp = (bp0, bp1)

    def _in_descs(i, slot):
        r = base + i * _CHUNK
        t = t0 + i * _CHUNK
        cx = pltpu.make_async_copy(x_hbm.at[pl.ds(r, _CHUNK), :], bx[slot],
                                   sem_i)
        cp = pltpu.make_async_copy(pe_hbm.at[pl.ds(t, _CHUNK), :], bp[slot],
                                   sem_i)
        return cx, cp

    def _out_descs(i, slot):
        r = base + i * _CHUNK
        cx = pltpu.make_async_copy(
            bx[slot], out_hbm.at[pl.ds(r, _CHUNK), pl.ds(0, _D_MODEL)], sem_o)
        cp = pltpu.make_async_copy(
            bp[slot], out_hbm.at[pl.ds(r, _CHUNK), pl.ds(_D_MODEL, _PE_DIM)],
            sem_o)
        return cx, cp

    def _start(descs):
        for c in descs:
            c.start()

    def _wait(descs):
        for c in descs:
            c.wait()

    _start(_in_descs(0, 0))

    def _step(g):
        for s in range(2):
            i = g + s
            _wait(_in_descs(i, s))
            outs = _out_descs(i, s)
            _start(outs)

            @pl.when(i + 1 < _NCHUNK)
            def _():
                _start(_in_descs(i + 1, 1 - s))

            _wait(outs)

    pl.loop(0, _NCHUNK, step=2)(_step)


def kernel(x, pe_table):
    batch, max_len, d_model = x.shape
    x2 = x.reshape(batch * max_len, d_model)
    out = _sc_concat(x2, pe_table)
    return out.reshape(batch, max_len, _OUT_D)

# --- scband reference (transcript-rebuilt; emitter-appended) ---
"""Pipeline reference for scband-positional-embedding-18047452578709 (READ-ONLY COPY).

The authoritative reference and input builder live on the scoring server;
editing this copy changes nothing except your own understanding.
"""

import jax, jax.numpy as jnp
import numpy as np

MAX_LEN = 8192
PE_DIM = 128
BATCH = 4
D_MODEL = 1024


def setup_inputs(seed: int = 0) -> dict:
    key = jax.random.key(seed)
    k1, k2 = jax.random.split(key)
    x = jax.random.normal(k1, (BATCH, MAX_LEN, D_MODEL), dtype=jnp.float32)
    # learned positional embedding table, like nn.Embedding(max_len, pe_dim)
    pe_table = jax.random.normal(k2, (MAX_LEN, PE_DIM), dtype=jnp.float32)
    return {"x": x, "pe_table": pe_table}


def reference(x, pe_table):
    # pos buffer = arange(max_len); lookup -> [max_len, pe_dim]
    pos = jnp.arange(pe_table.shape[0])
    x_pos = jnp.take(pe_table, pos, axis=0)
    # repeat across batch: (B, max_len, pe_dim)
    x_pos = jnp.broadcast_to(x_pos[None, :, :], (x.shape[0], x_pos.shape[0], x_pos.shape[1]))
    # concat along feature dim
    return jnp.concatenate((x, x_pos), axis=2)

if __name__ == "__main__":
    import jax
    _d = setup_inputs()
    print(jax.jit(kernel)(*tuple(_d.values())))

</pallas_src>

<mosaic_0001>
#map = affine_map<(d0, d1) -> (0, 0)>
module attributes {stable_mosaic.version = 14 : i64} {
  func.func @_sc_concat(%arg0: i32, %arg1: i32, %arg2: memref<32768x1024xf32, #tpu.memory_space<hbm>>, %arg3: memref<8192x128xf32, #tpu.memory_space<hbm>>, %arg4: memref<32768x1152xf32, #tpu.memory_space<hbm>>, %arg5: memref<32x1024xf32, #tpu.memory_space<vmem>>, %arg6: memref<32x1024xf32, #tpu.memory_space<vmem>>, %arg7: memref<32x128xf32, #tpu.memory_space<vmem>>, %arg8: memref<32x128xf32, #tpu.memory_space<vmem>>, %arg9: memref<!tpu.dma_semaphore, #tpu.memory_space<semaphore_mem>>, %arg10: memref<!tpu.dma_semaphore, #tpu.memory_space<semaphore_mem>>) attributes {dimension_semantics = [#tpu.dimension_semantics<core_parallel>, #tpu.dimension_semantics<subcore_parallel>], iteration_bounds = array<i64: 2, 16>, scalar_prefetch = 0 : i64, scratch_operands = 6 : i64, tpu.core_type = #tpu.core_type<sc_vector_subcore>, window_params = [{transform_indices = #map}, {transform_indices = #map}, {transform_indices = #map}]} {
    %mul3A = arith.constant 2 : i32
    %mul3A_0 = arith.muli %arg1, %mul3A : i32
    %add3A = arith.addi %mul3A_0, %arg0 : i32
    %mul3A_1 = arith.constant 1024 : i32
    %mul3A_2 = arith.muli %add3A, %mul3A_1 : i32
    %jit3A = arith.constant 8192 : i32
    %eq3A = arith.constant 0 : i32
    %eq3A_3 = arith.cmpi eq, %jit3A, %eq3A : i32
    %jit3A_4 = arith.constant 1 : i32
    %select_n3A = arith.select %eq3A_3, %jit3A_4, %jit3A : i32
    %rem3A = arith.remsi %mul3A_2, %select_n3A : i32
    %ne3A = arith.constant 0 : i32
    %ne3A_5 = arith.cmpi ne, %rem3A, %ne3A : i32
    %lt3A = arith.constant 0 : i32
    %lt3A_6 = arith.cmpi slt, %rem3A, %lt3A : i32
    %lt3A_7 = arith.constant 0 : i32
    %lt3A_8 = arith.cmpi slt, %select_n3A, %lt3A_7 : i32
    %ne3A_9 = arith.xori %lt3A_6, %lt3A_8 : i1
    %and3A = arith.andi %ne3A_9, %ne3A_5 : i1
    %add3A_10 = arith.addi %rem3A, %select_n3A : i32
    %select_n3A_11 = arith.select %and3A, %add3A_10, %rem3A : i32
    %add3A_12 = arith.constant 0 : i32
    %add3A_13 = arith.addi %mul3A_2, %add3A_12 : i32
    %add3A_14 = arith.constant 0 : i32
    %add3A_15 = arith.addi %select_n3A_11, %add3A_14 : i32
    %dma_start3A = arith.constant 0 : i32
    %dma_start3A_16 = tpu.memref_slice %arg2[%add3A_13, %dma_start3A] : memref<32768x1024xf32, #tpu.memory_space<hbm>> -> memref<32x1024xf32, #tpu.memory_space<hbm>>
    %dma_start3A_17 = arith.constant 0 : i32
    %dma_start3A_18 = tpu.memref_slice %arg2[%add3A_13, %dma_start3A_17] : memref<32768x1024xf32, #tpu.memory_space<hbm>> -> memref<32x1024xf32, #tpu.memory_space<hbm>>
    tpu.enqueue_dma source(%dma_start3A_18 : memref<32x1024xf32, #tpu.memory_space<hbm>>) target(%arg5 : memref<32x1024xf32, #tpu.memory_space<vmem>>) target_semaphore(%arg9 : memref<!tpu.dma_semaphore, #tpu.memory_space<semaphore_mem>>)
    %dma_start3A_19 = arith.constant 0 : i32
    %dma_start3A_20 = tpu.memref_slice %arg3[%add3A_15, %dma_start3A_19] : memref<8192x128xf32, #tpu.memory_space<hbm>> -> memref<32x128xf32, #tpu.memory_space<hbm>>
    %dma_start3A_21 = arith.constant 0 : i32
    %dma_start3A_22 = tpu.memref_slice %arg3[%add3A_15, %dma_start3A_21] : memref<8192x128xf32, #tpu.memory_space<hbm>> -> memref<32x128xf32, #tpu.memory_space<hbm>>
    tpu.enqueue_dma source(%dma_start3A_22 : memref<32x128xf32, #tpu.memory_space<hbm>>) target(%arg7 : memref<32x128xf32, #tpu.memory_space<vmem>>) target_semaphore(%arg9 : memref<!tpu.dma_semaphore, #tpu.memory_space<semaphore_mem>>)
    %scan3A = arith.constant 0 : i32
    %scan3A_23 = arith.constant 16 : i32
    %scan3A_24 = arith.addi %scan3A, %scan3A_23 : i32
    %scan3A_25 = arith.constant 1 : i32
    scf.for %scan3A_27 = %scan3A to %scan3A_24 step %scan3A_25  : i32 {
      %mul3A_28 = arith.constant 2 : i32
      %mul3A_29 = arith.muli %scan3A_27, %mul3A_28 : i32
      %add3A_30 = arith.constant 0 : i32
      %add3A_31 = arith.addi %add3A_30, %mul3A_29 : i32
      %add3A_32 = arith.constant 0 : i32
      %add3A_33 = arith.addi %add3A_31, %add3A_32 : i32
      %mul3A_34 = arith.constant 32 : i32
      %mul3A_35 = arith.muli %add3A_33, %mul3A_34 : i32
      %add3A_36 = arith.addi %mul3A_2, %mul3A_35 : i32
      %mul3A_37 = arith.constant 32 : i32
      %mul3A_38 = arith.muli %add3A_33, %mul3A_37 : i32
      %add3A_39 = arith.addi %select_n3A_11, %mul3A_38 : i32
      %dma_wait3A = arith.constant 0 : i32
      %dma_wait3A_40 = tpu.memref_slice %arg2[%add3A_36, %dma_wait3A] : memref<32768x1024xf32, #tpu.memory_space<hbm>> -> memref<32x1024xf32, #tpu.memory_space<hbm>>
      %dma_wait3A_41 = arith.constant 0 : i32
      %dma_wait3A_42 = tpu.memref_slice %arg2[%add3A_36, %dma_wait3A_41] : memref<32768x1024xf32, #tpu.memory_space<hbm>> -> memref<32x1024xf32, #tpu.memory_space<hbm>>
      tpu.wait_dma2 semaphore(%arg9 : memref<!tpu.dma_semaphore, #tpu.memory_space<semaphore_mem>>) src(%dma_wait3A_42 : memref<32x1024xf32, #tpu.memory_space<hbm>>) dst(%arg5 : memref<32x1024xf32, #tpu.memory_space<vmem>>)
      %dma_wait3A_43 = arith.constant 0 : i32
      %dma_wait3A_44 = tpu.memref_slice %arg3[%add3A_39, %dma_wait3A_43] : memref<8192x128xf32, #tpu.memory_space<hbm>> -> memref<32x128xf32, #tpu.memory_space<hbm>>
      %dma_wait3A_45 = arith.constant 0 : i32
      %dma_wait3A_46 = tpu.memref_slice %arg3[%add3A_39, %dma_wait3A_45] : memref<8192x128xf32, #tpu.memory_space<hbm>> -> memref<32x128xf32, #tpu.memory_space<hbm>>
      tpu.wait_dma2 semaphore(%arg9 : memref<!tpu.dma_semaphore, #tpu.memory_space<semaphore_mem>>) src(%dma_wait3A_46 : memref<32x128xf32, #tpu.memory_space<hbm>>) dst(%arg7 : memref<32x128xf32, #tpu.memory_space<vmem>>)
      %mul3A_47 = arith.constant 32 : i32
      %mul3A_48 = arith.muli %add3A_33, %mul3A_47 : i32
      %add3A_49 = arith.addi %mul3A_2, %mul3A_48 : i32
      %dma_start3A_50 = arith.constant 0 : i32
      %dma_start3A_51 = tpu.memref_slice %arg4[%add3A_49, %dma_start3A_50] : memref<32768x1152xf32, #tpu.memory_space<hbm>> -> memref<32x1024xf32, #tpu.memory_space<hbm>>
      %dma_start3A_52 = arith.constant 0 : i32
      %dma_start3A_53 = tpu.memref_slice %arg4[%add3A_49, %dma_start3A_52] : memref<32768x1152xf32, #tpu.memory_space<hbm>> -> memref<32x1024xf32, #tpu.memory_space<hbm>>
      tpu.enqueue_dma source(%arg5 : memref<32x1024xf32, #tpu.memory_space<vmem>>) target(%dma_start3A_53 : memref<32x1024xf32, #tpu.memory_space<hbm>>) target_semaphore(%arg10 : memref<!tpu.dma_semaphore, #tpu.memory_space<semaphore_mem>>)
      %dma_start3A_54 = arith.constant 1024 : i32
      %dma_start3A_55 = tpu.memref_slice %arg4[%add3A_49, %dma_start3A_54] : memref<32768x1152xf32, #tpu.memory_space<hbm>> -> memref<32x128xf32, #tpu.memory_space<hbm>>
      %dma_start3A_56 = arith.constant 1024 : i32
      %dma_start3A_57 = tpu.memref_slice %arg4[%add3A_49, %dma_start3A_56] : memref<32768x1152xf32, #tpu.memory_space<hbm>> -> memref<32x128xf32, #tpu.memory_space<hbm>>
      tpu.enqueue_dma source(%arg7 : memref<32x128xf32, #tpu.memory_space<vmem>>) target(%dma_start3A_57 : memref<32x128xf32, #tpu.memory_space<hbm>>) target_semaphore(%arg10 : memref<!tpu.dma_semaphore, #tpu.memory_space<semaphore_mem>>)
      %add3A_58 = arith.constant 1 : i32
      %add3A_59 = arith.addi %add3A_33, %add3A_58 : i32
      %lt3A_60 = arith.constant 32 : i32
      %lt3A_61 = arith.cmpi slt, %add3A_59, %lt3A_60 : i32
      %convert_element_type3A = arith.extui %lt3A_61 : i1 to i32
      %cond3A = arith.constant 0 : i32
      %cond3A_62 = arith.cmpi ne, %convert_element_type3A, %cond3A : i32
      scf.if %cond3A_62 {
        %add3A_113 = arith.constant 1 : i32
        %add3A_114 = arith.addi %add3A_33, %add3A_113 : i32
        %mul3A_115 = arith.constant 32 : i32
        %mul3A_116 = arith.muli %add3A_114, %mul3A_115 : i32
        %add3A_117 = arith.addi %mul3A_2, %mul3A_116 : i32
        %mul3A_118 = arith.constant 32 : i32
        %mul3A_119 = arith.muli %add3A_114, %mul3A_118 : i32
        %add3A_120 = arith.addi %select_n3A_11, %mul3A_119 : i32
        %dma_start3A_121 = arith.constant 0 : i32
        %dma_start3A_122 = tpu.memref_slice %arg2[%add3A_117, %dma_start3A_121] : memref<32768x1024xf32, #tpu.memory_space<hbm>> -> memref<32x1024xf32, #tpu.memory_space<hbm>>
        %dma_start3A_123 = arith.constant 0 : i32
        %dma_start3A_124 = tpu.memref_slice %arg2[%add3A_117, %dma_start3A_123] : memref<32768x1024xf32, #tpu.memory_space<hbm>> -> memref<32x1024xf32, #tpu.memory_space<hbm>>
        tpu.enqueue_dma source(%dma_start3A_124 : memref<32x1024xf32, #tpu.memory_space<hbm>>) target(%arg6 : memref<32x1024xf32, #tpu.memory_space<vmem>>) target_semaphore(%arg9 : memref<!tpu.dma_semaphore, #tpu.memory_space<semaphore_mem>>)
        %dma_start3A_125 = arith.constant 0 : i32
        %dma_start3A_126 = tpu.memref_slice %arg3[%add3A_120, %dma_start3A_125] : memref<8192x128xf32, #tpu.memory_space<hbm>> -> memref<32x128xf32, #tpu.memory_space<hbm>>
        %dma_start3A_127 = arith.constant 0 : i32
        %dma_start3A_128 = tpu.memref_slice %arg3[%add3A_120, %dma_start3A_127] : memref<8192x128xf32, #tpu.memory_space<hbm>> -> memref<32x128xf32, #tpu.memory_space<hbm>>
        tpu.enqueue_dma source(%dma_start3A_128 : memref<32x128xf32, #tpu.memory_space<hbm>>) target(%arg8 : memref<32x128xf32, #tpu.memory_space<vmem>>) target_semaphore(%arg9 : memref<!tpu.dma_semaphore, #tpu.memory_space<semaphore_mem>>)
      } else {
      }
      %dma_wait3A_63 = arith.constant 0 : i32
      %dma_wait3A_64 = tpu.memref_slice %arg4[%add3A_49, %dma_wait3A_63] : memref<32768x1152xf32, #tpu.memory_space<hbm>> -> memref<32x1024xf32, #tpu.memory_space<hbm>>
      %dma_wait3A_65 = arith.constant 0 : i32
      %dma_wait3A_66 = tpu.memref_slice %arg4[%add3A_49, %dma_wait3A_65] : memref<32768x1152xf32, #tpu.memory_space<hbm>> -> memref<32x1024xf32, #tpu.memory_space<hbm>>
      tpu.wait_dma2 semaphore(%arg10 : memref<!tpu.dma_semaphore, #tpu.memory_space<semaphore_mem>>) src(%arg5 : memref<32x1024xf32, #tpu.memory_space<vmem>>) dst(%dma_wait3A_66 : memref<32x1024xf32, #tpu.memory_space<hbm>>)
      %dma_wait3A_67 = arith.constant 1024 : i32
      %dma_wait3A_68 = tpu.memref_slice %arg4[%add3A_49, %dma_wait3A_67] : memref<32768x1152xf32, #tpu.memory_space<hbm>> -> memref<32x128xf32, #tpu.memory_space<hbm>>
      %dma_wait3A_69 = arith.constant 1024 : i32
      %dma_wait3A_70 = tpu.memref_slice %arg4[%add3A_49, %dma_wait3A_69] : memref<32768x1152xf32, #tpu.memory_space<hbm>> -> memref<32x128xf32, #tpu.memory_space<hbm>>
      tpu.wait_dma2 semaphore(%arg10 : memref<!tpu.dma_semaphore, #tpu.memory_space<semaphore_mem>>) src(%arg7 : memref<32x128xf32, #tpu.memory_space<vmem>>) dst(%dma_wait3A_70 : memref<32x128xf32, #tpu.memory_space<hbm>>)
      %add3A_71 = arith.constant 1 : i32
      %add3A_72 = arith.addi %add3A_31, %add3A_71 : i32
      %mul3A_73 = arith.constant 32 : i32
      %mul3A_74 = arith.muli %add3A_72, %mul3A_73 : i32
      %add3A_75 = arith.addi %mul3A_2, %mul3A_74 : i32
      %mul3A_76 = arith.constant 32 : i32
      %mul3A_77 = arith.muli %add3A_72, %mul3A_76 : i32
      %add3A_78 = arith.addi %select_n3A_11, %mul3A_77 : i32
      %dma_wait3A_79 = arith.constant 0 : i32
      %dma_wait3A_80 = tpu.memref_slice %arg2[%add3A_75, %dma_wait3A_79] : memref<32768x1024xf32, #tpu.memory_space<hbm>> -> memref<32x1024xf32, #tpu.memory_space<hbm>>
      %dma_wait3A_81 = arith.constant 0 : i32
      %dma_wait3A_82 = tpu.memref_slice %arg2[%add3A_75, %dma_wait3A_81] : memref<32768x1024xf32, #tpu.memory_space<hbm>> -> memref<32x1024xf32, #tpu.memory_space<hbm>>
      tpu.wait_dma2 semaphore(%arg9 : memref<!tpu.dma_semaphore, #tpu.memory_space<semaphore_mem>>) src(%dma_wait3A_82 : memref<32x1024xf32, #tpu.memory_space<hbm>>) dst(%arg6 : memref<32x1024xf32, #tpu.memory_space<vmem>>)
      %dma_wait3A_83 = arith.constant 0 : i32
      %dma_wait3A_84 = tpu.memref_slice %arg3[%add3A_78, %dma_wait3A_83] : memref<8192x128xf32, #tpu.memory_space<hbm>> -> memref<32x128xf32, #tpu.memory_space<hbm>>
      %dma_wait3A_85 = arith.constant 0 : i32
      %dma_wait3A_86 = tpu.memref_slice %arg3[%add3A_78, %dma_wait3A_85] : memref<8192x128xf32, #tpu.memory_space<hbm>> -> memref<32x128xf32, #tpu.memory_space<hbm>>
      tpu.wait_dma2 semaphore(%arg9 : memref<!tpu.dma_semaphore, #tpu.memory_space<semaphore_mem>>) src(%dma_wait3A_86 : memref<32x128xf32, #tpu.memory_space<hbm>>) dst(%arg8 : memref<32x128xf32, #tpu.memory_space<vmem>>)
      %mul3A_87 = arith.constant 32 : i32
      %mul3A_88 = arith.muli %add3A_72, %mul3A_87 : i32
      %add3A_89 = arith.addi %mul3A_2, %mul3A_88 : i32
      %dma_start3A_90 = arith.constant 0 : i32
      %dma_start3A_91 = tpu.memref_slice %arg4[%add3A_89, %dma_start3A_90] : memref<32768x1152xf32, #tpu.memory_space<hbm>> -> memref<32x1024xf32, #tpu.memory_space<hbm>>
      %dma_start3A_92 = arith.constant 0 : i32
      %dma_start3A_93 = tpu.memref_slice %arg4[%add3A_89, %dma_start3A_92] : memref<32768x1152xf32, #tpu.memory_space<hbm>> -> memref<32x1024xf32, #tpu.memory_space<hbm>>
      tpu.enqueue_dma source(%arg6 : memref<32x1024xf32, #tpu.memory_space<vmem>>) target(%dma_start3A_93 : memref<32x1024xf32, #tpu.memory_space<hbm>>) target_semaphore(%arg10 : memref<!tpu.dma_semaphore, #tpu.memory_space<semaphore_mem>>)
      %dma_start3A_94 = arith.constant 1024 : i32
      %dma_start3A_95 = tpu.memref_slice %arg4[%add3A_89, %dma_start3A_94] : memref<32768x1152xf32, #tpu.memory_space<hbm>> -> memref<32x128xf32, #tpu.memory_space<hbm>>
      %dma_start3A_96 = arith.constant 1024 : i32
      %dma_start3A_97 = tpu.memref_slice %arg4[%add3A_89, %dma_start3A_96] : memref<32768x1152xf32, #tpu.memory_space<hbm>> -> memref<32x128xf32, #tpu.memory_space<hbm>>
      tpu.enqueue_dma source(%arg8 : memref<32x128xf32, #tpu.memory_space<vmem>>) target(%dma_start3A_97 : memref<32x128xf32, #tpu.memory_space<hbm>>) target_semaphore(%arg10 : memref<!tpu.dma_semaphore, #tpu.memory_space<semaphore_mem>>)
      %add3A_98 = arith.constant 1 : i32
      %add3A_99 = arith.addi %add3A_72, %add3A_98 : i32
      %lt3A_100 = arith.constant 32 : i32
      %lt3A_101 = arith.cmpi slt, %add3A_99, %lt3A_100 : i32
      %convert_element_type3A_102 = arith.extui %lt3A_101 : i1 to i32
      %cond3A_103 = arith.constant 0 : i32
      %cond3A_104 = arith.cmpi ne, %convert_element_type3A_102, %cond3A_103 : i32
      scf.if %cond3A_104 {
        %add3A_113 = arith.constant 1 : i32
        %add3A_114 = arith.addi %add3A_72, %add3A_113 : i32
        %mul3A_115 = arith.constant 32 : i32
        %mul3A_116 = arith.muli %add3A_114, %mul3A_115 : i32
        %add3A_117 = arith.addi %mul3A_2, %mul3A_116 : i32
        %mul3A_118 = arith.constant 32 : i32
        %mul3A_119 = arith.muli %add3A_114, %mul3A_118 : i32
        %add3A_120 = arith.addi %select_n3A_11, %mul3A_119 : i32
        %dma_start3A_121 = arith.constant 0 : i32
        %dma_start3A_122 = tpu.memref_slice %arg2[%add3A_117, %dma_start3A_121] : memref<32768x1024xf32, #tpu.memory_space<hbm>> -> memref<32x1024xf32, #tpu.memory_space<hbm>>
        %dma_start3A_123 = arith.constant 0 : i32
        %dma_start3A_124 = tpu.memref_slice %arg2[%add3A_117, %dma_start3A_123] : memref<32768x1024xf32, #tpu.memory_space<hbm>> -> memref<32x1024xf32, #tpu.memory_space<hbm>>
        tpu.enqueue_dma source(%dma_start3A_124 : memref<32x1024xf32, #tpu.memory_space<hbm>>) target(%arg5 : memref<32x1024xf32, #tpu.memory_space<vmem>>) target_semaphore(%arg9 : memref<!tpu.dma_semaphore, #tpu.memory_space<semaphore_mem>>)
        %dma_start3A_125 = arith.constant 0 : i32
        %dma_start3A_126 = tpu.memref_slice %arg3[%add3A_120, %dma_start3A_125] : memref<8192x128xf32, #tpu.memory_space<hbm>> -> memref<32x128xf32, #tpu.memory_space<hbm>>
        %dma_start3A_127 = arith.constant 0 : i32
        %dma_start3A_128 = tpu.memref_slice %arg3[%add3A_120, %dma_start3A_127] : memref<8192x128xf32, #tpu.memory_space<hbm>> -> memref<32x128xf32, #tpu.memory_space<hbm>>
        tpu.enqueue_dma source(%dma_start3A_128 : memref<32x128xf32, #tpu.memory_space<hbm>>) target(%arg7 : memref<32x128xf32, #tpu.memory_space<vmem>>) target_semaphore(%arg9 : memref<!tpu.dma_semaphore, #tpu.memory_space<semaphore_mem>>)
      } else {
      }
      %dma_wait3A_105 = arith.constant 0 : i32
      %dma_wait3A_106 = tpu.memref_slice %arg4[%add3A_89, %dma_wait3A_105] : memref<32768x1152xf32, #tpu.memory_space<hbm>> -> memref<32x1024xf32, #tpu.memory_space<hbm>>
      %dma_wait3A_107 = arith.constant 0 : i32
      %dma_wait3A_108 = tpu.memref_slice %arg4[%add3A_89, %dma_wait3A_107] : memref<32768x1152xf32, #tpu.memory_space<hbm>> -> memref<32x1024xf32, #tpu.memory_space<hbm>>
      tpu.wait_dma2 semaphore(%arg10 : memref<!tpu.dma_semaphore, #tpu.memory_space<semaphore_mem>>) src(%arg6 : memref<32x1024xf32, #tpu.memory_space<vmem>>) dst(%dma_wait3A_108 : memref<32x1024xf32, #tpu.memory_space<hbm>>)
      %dma_wait3A_109 = arith.constant 1024 : i32
      %dma_wait3A_110 = tpu.memref_slice %arg4[%add3A_89, %dma_wait3A_109] : memref<32768x1152xf32, #tpu.memory_space<hbm>> -> memref<32x128xf32, #tpu.memory_space<hbm>>
      %dma_wait3A_111 = arith.constant 1024 : i32
      %dma_wait3A_112 = tpu.memref_slice %arg4[%add3A_89, %dma_wait3A_111] : memref<32768x1152xf32, #tpu.memory_space<hbm>> -> memref<32x128xf32, #tpu.memory_space<hbm>>
      tpu.wait_dma2 semaphore(%arg10 : memref<!tpu.dma_semaphore, #tpu.memory_space<semaphore_mem>>) src(%arg8 : memref<32x128xf32, #tpu.memory_space<vmem>>) dst(%dma_wait3A_112 : memref<32x128xf32, #tpu.memory_space<hbm>>)
    }
    %scan3A_26 = arith.constant 16 : i32
    return
  }
}

</mosaic_0001>

<sc_bundles>
// kernel: kernel.3.cloned.1.call-start
scs
__scs_entry_jumppad:
0x0: {  	(pc) =	sbr.rel $0x88, $3  }
0x1: {  	(tag) =	ssettag $0x0;
	lr =	simm.s32 $0x1  }
0x2: {  	[smem:$0x3F9F] =	sst lr;
	_ =	strace $0xD0000000  }
0x3: {  	_ = 	snop  }
0x4: {  	_ = 	snop  }
0x5: {  	_ = 	snop  }
0x6: {  	_ = 	snop  }
0x7: {  	_ = 	snop  }
__scs_overlays_trampoline_lowered:
0x8: {  	[smem:$0x3FAE] =	sst s0  }
0x9: {  	[smem:$0x3FAF] =	sst s1  }
0xa: {  	[smem:$0x3FB0] =	sst s2  }
0xb: {  	[smem:$0x3FB1] =	sst s3  }
0xc: {  	[smem:$0x3FB2] =	sst s4  }
0xd: {  	[smem:$0x3FB3] =	sst s5  }
0xe: {  	[smem:$0x3FB4] =	sst s6  }
0xf: {  	[smem:$0x3FB5] =	sst s7  }
0x10: {  	[smem:$0x3FB6] =	sst s8  }
0x11: {  	[smem:$0x3FB7] =	sst s9;
	s0 =	simm.s32 @!p0 $0x0  }
0x12: {  	s1 =	sld [smem:$0x3F9D];
	s0 =	simm.s32 @p0 $0x1  }
0x13: {  	[smem:$0x3FB8] =	sst s0;
	s0 =	simm.s32 @!p1 $0x0  }
0x14: {  	s2 =	sld [smem:$0x3F9C];
	s0 =	simm.s32 @p1 $0x1  }
0x15: {  	[smem:$0x3FB9] =	sst s0;
	s0 =	simm.s32 @!p2 $0x0  }
0x16: {  	s3 =	sld [smem:$0x3FDB];
	s0 =	simm.s32 @p2 $0x1  }
0x17: {  	s4 =	simm.s32 $0x1BF5;
	[smem:$0x3FBB] =	sst s0  }
0x18: {  	s0 =	sld [smem:$0x3F9E];
	_ =	swait.ge [sflag:s4], $0x0  }
0x19: {  	s7 =	sld [smem:$0x3F9F]  }
0x1a: {  	s8 =	sadd.s32 $0xFFFFE003, lr  }
0x1b: {  	s9 =	sadd.s32 $0xFFFFFEF7, lr;
	s5 =	simm.s32 $0xFFFFFFFF;
	p2 =	slt.u32 s8, $0xFFFFF086  }
0x1c: {  	p1 =	slt.u32 s9, $0xF7A;
	s5 =	simm.s32 @!p2 $0x0  }
0x1d: {  	s5 =	simm.s32 @p1 $0x1;
	p0 =	seq.s32 s7, s2  }
0x1e: {  	s7 =	smul.u32 @!p0 $0xF7A, s2;
	p2 =	seq.s32 @!p0 s5, $0x0  }
0x1f: {  	s9 =	smul.u32 $0xF7A, s1;
	s8 =	simm.s32 @!p0 $0x1BF5;
	p2 =	por !p2, p0  }
0x20: {  	[sflag:s8] =	ssyncset.s32 @!p0 $0xFFFFF086;
	s6 =	sadd.s32 @!p0 s3, s7;
	s7 =	simm.s32 @!p0 $0x108  }
0x21: {  	s3 =	sadd.s32 s3, s9;
	s6 =	sadd.s32 @!p0 $0x88, s6;
	s7 =	simm.s32 @p2 $0x1082  }
0x22: {  	[simem:s7], [sflag:s8] =	dma.local @!p0 [hbm:s6], $0xF7A  }
0x23: {  	s9 =	sor.u32 $0xD0000000, s2;
	s6 =	simm.s32 $0x108;
	_ =	swait.ge @!p0 [sflag:s8], $0x0  }
0x24: {  	s3 =	sadd.s32 $0x88, s3;
	s6 =	simm.s32 @!p1 $0x1082;
	[sflag:s4] =	ssyncset.s32 $0xFFFFF086  }
0x25: {  	[simem:s6], [sflag:s4] =	dma.local [hbm:s3], $0xF7A  }
0x26: {  	[smem:$0x3F9F] =	sst s1;
	(tag) =	ssettag s2;
	_ =	strace s9  }
0x27: {  	s1 =	sld [smem:$0x3FAF]  }
0x28: {  	s2 =	sld [smem:$0x3FB0]  }
0x29: {  	s4 =	sld [smem:$0x3FB2]  }
0x2a: {  	p0 =	seq.s32 s5, $0x0;
	s5 =	sld [smem:$0x3FB3]  }
0x2b: {  	s6 =	sld [smem:$0x3FB4]  }
0x2c: {  	s7 =	sld [smem:$0x3FB5]  }
0x2d: {  	s3 =	simm.s32 $0x108;
	s8 =	sld [smem:$0x3FB6]  }
0x2e: {  	s3 =	simm.s32 @!p0 $0x1082;
	s9 =	sld [smem:$0x3FB7]  }
0x2f: {  	lr =	sadd.s32 s0, s3;
	s0 =	sld [smem:$0x3FAE]  }
0x30: {  	s3 =	sld [smem:$0x3FB1]  }
0x31: {  	[smem:$0x3FBA] =	sst s10  }
0x32: {  	s10 =	sld [smem:$0x3FB8];
	_ =	sdelay $0x3  }
0x33: {  	p0 =	seq.s32 s10, $0x1;
	s10 =	sld [smem:$0x3FBA];
	_ =	sdelay $0x3  }
0x34: {  	[smem:$0x3FBA] =	sst s10  }
0x35: {  	s10 =	sld [smem:$0x3FB9];
	_ =	sdelay $0x3  }
0x36: {  	p1 =	seq.s32 s10, $0x1;
	s10 =	sld [smem:$0x3FBA];
	_ =	sdelay $0x3  }
0x37: {  	[smem:$0x3FBA] =	sst s10  }
0x38: {  	s10 =	sld [smem:$0x3FBB]  }
0x39: {  	_ = 	snop;
	(pc) =	sbr.ind lr, $3  }
0x3a: {  	_ = 	snop  }
0x3b: {  	_ = 	snop  }
0x3c: {  	p2 =	seq.s32 s10, $0x1;
	s10 =	sld [smem:$0x3FBA]  }
0x3d: {  	_ =	shalt  }
0x3e: {  	_ =	shalt  }
0x3f: {  	_ =	shalt  }
0x40: {  	_ =	shalt  }
0x41: {  	_ =	shalt  }
0x42: {  	_ =	shalt  }
0x43: {  	_ =	shalt  }
0x44: {  	_ =	shalt  }
0x45: {  	_ =	shalt  }
0x46: {  	_ =	shalt  }
0x47: {  	_ =	shalt  }
0x48: {  	_ =	shalt  }
0x49: {  	_ =	shalt  }
0x4a: {  	_ =	shalt  }
0x4b: {  	_ =	shalt  }
0x4c: {  	_ =	shalt  }
0x4d: {  	_ =	shalt  }
0x4e: {  	_ =	shalt  }
0x4f: {  	_ =	shalt  }
0x50: {  	_ =	shalt  }
0x51: {  	_ =	shalt  }
0x52: {  	_ =	shalt  }
0x53: {  	_ =	shalt  }
0x54: {  	_ =	shalt  }
0x55: {  	_ =	shalt  }
0x56: {  	_ =	shalt  }
0x57: {  	_ =	shalt  }
0x58: {  	_ =	shalt  }
0x59: {  	_ =	shalt  }
0x5a: {  	_ =	shalt  }
0x5b: {  	_ =	shalt  }
0x5c: {  	_ =	shalt  }
0x5d: {  	_ =	shalt  }
0x5e: {  	_ =	shalt  }
0x5f: {  	_ =	shalt  }
0x60: {  	_ =	shalt  }
0x61: {  	_ =	shalt  }
0x62: {  	_ =	shalt  }
0x63: {  	_ =	shalt  }
0x64: {  	_ =	shalt  }
0x65: {  	_ =	shalt  }
0x66: {  	_ =	shalt  }
0x67: {  	_ =	shalt  }
0x68: {  	_ =	shalt  }
0x69: {  	_ =	shalt  }
0x6a: {  	_ =	shalt  }
0x6b: {  	_ =	shalt  }
0x6c: {  	_ =	shalt  }
0x6d: {  	_ =	shalt  }
0x6e: {  	_ =	shalt  }
0x6f: {  	_ =	shalt  }
0x70: {  	_ =	shalt  }
0x71: {  	_ =	shalt  }
0x72: {  	_ =	shalt  }
0x73: {  	_ =	shalt  }
0x74: {  	_ =	shalt  }
0x75: {  	_ =	shalt  }
0x76: {  	_ =	shalt  }
0x77: {  	_ =	shalt  }
0x78: {  	_ =	shalt  }
0x79: {  	_ =	shalt  }
0x7a: {  	_ =	shalt  }
0x7b: {  	_ =	shalt  }
0x7c: {  	_ =	shalt  }
0x7d: {  	_ =	shalt  }
0x7e: {  	_ =	shalt  }
0x7f: {  	_ =	shalt  }
0x80: {  	_ =	shalt  }
0x81: {  	_ =	shalt  }
0x82: {  	_ =	shalt  }
0x83: {  	_ =	shalt  }
0x84: {  	_ =	shalt  }
0x85: {  	_ =	shalt  }
0x86: {  	_ =	shalt  }
0x87: {  	_ =	shalt  }
.Lfunc_end0:
.L_simem_size_0:
called_computation_lowered:
.L_overlay_start_0:
0x88: {  	s2 =	sld [smem:$0x3FD9]  }
0x89: {  	s3 =	sld [smem:$0x3FFE];
	_ =	sdelay $0x1  }
0x8a: {  	s1 =	srdreg.scid  }
0x8b: {  	s0 =	sand.u32 $0x1, s1  }
0x8c: {  	s18 =	sshll.u32 s0, $0xA;
	s2 =	sadd.s32 s3, s2  }
0x8d: {  	s2 =	sadd.s32 s2, s18  }
0x8e: {  	[smem:$0x3FC6] =	sst s2  }
0x8f: {  	_ = 	snop  }
0x90: {  	s2 =	sld [smem:$0x3FC9]  }
0x91: {  	s19 =	sld [smem:$0x3FC8]  }
0x92: {  	s4 =	sld [smem:$0x3FD0];
	(tm) =	ssettm $0x1  }
0x93: {  	s5 =	sld [smem:$0x3FFB];
	_ =	sdelay $0x3  }
0x94: {  	_ =	strace s5  }
0x95: {  	s5 =	sld [smem:$0x3FFC];
	_ =	sdelay $0x3  }
0x96: {  	_ =	strace s5  }
0x97: {  	s5 =	sld [smem:$0x3FFD];
	_ =	sdelay $0x3  }
0x98: {  	_ =	strace s5  }
0x99: {  	_ =	strace $0x8FFFFFFF  }
0x9a: {  	s20 =	sld [smem:$0x3FDB];
	_ =	sdelay $0x1  }
0x9b: {  	s6 =	simm.s32 $_scs_section_size  }
0x9c: {  	s7 =	simm.s32 $_size__tile_overlayer_lowered;
	s8 =	simm.s32 $_tile_overlayer_lowered  }
0x9d: {  	s23 =	simm.s32 $0x1BFF;
	s22 =	sshll.u32 s8, $0x1;
	s5 =	sadd.s32 s6, s20  }
0x9e: {  	s9 =	simm.s32 $0x0;
	s21 =	sshll.u32 s7, $0x1;
	s7 =	sadd.s32 s22, s5  }
0x9f: {  	[timem:s9], [sflag:s23] =	dma.local [hbm:s7], s21  }
0xa0: {  	_ =	swait.ge [sflag:s23], s21  }
0xa1: {  	s6 =	ssub.s32 $0x0, s21;
	[sflag:s23] =	ssyncset.done $0x0  }
0xa2: {  	[sflag:s23] =	ssyncadd.s32 s6;
	_ =	sdelay $0x1  }
0xa3: {  	s24 =	simm.s32 $0x1B8B  }
0xa4: {  	_ =	swait.ge [sflag:s24], $0x1  }
0xa5: {  	[sflag:s24] =	ssyncset.done $0x0  }
0xa6: {  	s25 =	simm.s32 $0x1B8E;
	[sflag:s24] =	ssyncadd.s32 $0xFFFFFFFF  }
0xa7: {  	s26 =	simm.s32 $execute0_lowered;
	[smem:$0x3FD2] =	sst s25  }
0xa8: {  	s6 =	sshll.u32 s26, $0x1;
	_ =	strace $0x80000046;
	[dreg:$0x1] =	wrdreg $0xFFFFFFFF  }
0xa9: {  	s28 =	simm.s32 $_size_execute0_lowered;
	s5 =	sadd.s32 s5, s6;
	[dreg:$0x0] =	wrdreg $0x0  }
0xaa: {  	s6 =	sshll.u32 s28, $0x1;
	[dreg:$0x2] =	wrdreg s5  }
0xab: {  	[dreg:$0x3] =	wrdreg s6  }
0xac: {  	[dreg:$0x4] =	wrdreg $0xC0  }
0xad: {  	_ =	task [dreg:s9], $0x5FFFF  }
0xae: {  	[dreg:$0x1] =	wrdreg $0xFFFFFFFF  }
0xaf: {  	[dreg:$0x0] =	wrdreg $0x60  }
0xb0: {  	[dreg:$0x2] =	wrdreg s2  }
0xb1: {  	[dreg:$0x3] =	wrdreg s19  }
0xb2: {  	[dreg:$0x4] =	wrdreg s4  }
0xb3: {  	[dreg:$0x5] =	wrdreg $0x9  }
0xb4: {  	_ =	task.clear_ibuf [dreg:s9], $0x6FFFF;
	_ =	strace $0x90000046  }
0xb5: {  	s29 =	simm.s32 $0x9;
	_ =	strace $0x80000048  }
0xb6: {  	_ =	swait.ge [sflag:s29], $0x1  }
0xb7: {  	[sflag:s29] =	ssyncadd.s32 $0xFFFFFFFF  }
0xb8: {  	_ =	strace $0x90000048  }
0xb9: {  	_ =	sfence  }
0xba: {  	s30 =	sld [smem:$0x0];
	_ =	sdelay $0x2  }
0xbb: {  	s31 =	sshll.u32 s1, $0xD;
	s1 =	sshrl.u32 s1, $0x2  }
0xbc: {  	s3 =	sand.u32 $0x4000, s31;
	s1 =	sadd.s32 s1, s30  }
0xbd: {  	s0 =	sor.u32 s3, s0;
	s1 =	sshll.u32 s1, $0x11  }
0xbe: {  	s0 =	sor.u32 s1, s0  }
0xbf: {  	s0 =	sadd.s32 $0x8F2B, s0  }
0xc0: {  	[sflag:s0] =	ssyncadd.remote.s32 $0x1  }
0xc1: {  	_ =	sfence.sel $0xFFFF  }
0xc2: {  	[dreg:$0x0] =	wrdreg $0xFFFFFFFF;
	(pc) =	sbr.abs _section_cstart, $3  }
0xc3: {  	[dreg:$0x1] =	wrdreg $0xFFFFFFFF  }
0xc4: {  	_ =	task.clear_ibuf [dreg:s9], $0x2FFFF;
	_ =	strace $0x9FFFFFFF  }
0xc5: {  	(tm) =	ssettm $0x7FFFFFFF  }
tec
execute0_lowered:
.L_overlay_start_1:
0x0: {  	(tag) =	ssettag $0x1  }
0x1: {  	s6 =	rddreg [dreg:$0x0]  }
0x2: {  	s7 =	rddreg [dreg:$0x1]  }
0x3: {  	s9 =	rddreg [dreg:$0x2]  }
0x4: {  	s0 =	rddreg [dreg:$0x3];
	s3 =	srdreg.scid  }
0x5: {  	s2 =	simm.s32 $0x0;
	s1 =	stileid.u32;
	s14 =	simm.s32 $0x400  }
0x6: {  	s15 =	simm.s32 $0x8000;
	s16 =	simm.s32 $0x11000;
	s17 =	simm.s32 $0x2  }
0x7: {  	s18 =	simm.s32 $0x0;
	s8 =	sand.u32 $0x1, s3;
	[smem:$0x7FF] =	sst s2  }
0x8: {  	s29 =	sshll.u32 s1, $0xB;
	s13 =	sshll.u32 s1, $0x12;
	s4 =	sshll.u32 s8, $0xA  }
0x9: {  	_ =	strace $0x80000047;
	s5 =	ssub.s32 $0x2, s8;
	s13 =	sadd.s32 s13, s6  }
0xa: {  	s8 =	sshll.u32 s8, $0x11;
	s10 =	sor.u32 s4, s29;
	s30 =	sshrl.u32 s5, $0x1  }
0xb: {  	s8 =	sadd.s32 s8, s13;
	s13 =	simm.s32 $0x2400;
	s4 =	sand.u32 $0x1C00, s10  }
0xc: {  	s11 =	sshll.u32 s10, $0x7;
	s5 =	ssub.s32 s5, s30;
	s31 =	sshrl.u32 s10, $0x3  }
0xd: {  	s12 =	sshll.u32 s10, $0x4;
	s10 =	sor.u32 $0x20, s10;
	s8 =	sadd.s32 $0x2000, s8  }
0xe: {  	s3 =	sadd.s32 s6, s11;
	s4 =	sshll.u32 s4, $0x4;
	s5 =	smax.u32 s5, $0x1  }
0xf: {  	s11 =	smul.u32 $0x480, s31;
	s12 =	sand.u32 $0x1C000, s12;
	s10 =	sshrl.u32 s10, $0x3  }
0x10: {  	s4 =	sadd.s32 s7, s4;
	s10 =	smul.u32 $0x480, s10;
	s7 =	sadd.s32 s12, s7  }
0x11: {  	s12 =	simm.s32 $0x2000;
	s6 =	sadd.s32 s11, s9;
	s7 =	sadd.s32 $0x400, s7  }
0x12: {  	s11 =	simm.s32 $0x1;
	s9 =	sadd.s32 s10, s9;
	s10 =	simm.s32 $0x10000  }
.LBB2_1:
0x13: {  	[tilespmem:s2], [sflag:$0x1] =	stream.linear.gather [hbm4b:s3+s2], $0x8000, $0x38;
	[tilespmem:$0x12000] =	vst v63  }
0x14: {  	_ = 	snop  }
0x15: {  	[tilespmem:s10], [sflag:$0x1] =	stream.linear.gather [hbm4b:s4+s2], $0x1000, $0x38;
	[tilespmem:$0x12000] =	vst v63  }
0x16: {  	_ =	swait.ge [sflag:s11], $0x8000  }
0x17: {  	[sflag:s11] =	ssyncset.done $0x0  }
0x18: {  	[sflag:s11] =	ssyncadd.s32 $0xFFFF8000  }
0x19: {  	_ =	swait.ge [sflag:s11], $0x1000  }
0x1a: {  	[sflag:s11] =	ssyncset.done $0x0  }
0x1b: {  	s19 =	sadd.s32 $0x0, s6;
	[sflag:s11] =	ssyncadd.s32 $0xFFFFF000  }
0x1c: {  	[hbm4b:s19+s12] =	stream.strided.scatter [tilespmem:s2], [sflag:$0x2], $0x8000, s13, s12, $0x38;
	[tilespmem:$0x12000] =	vst v63  }
0x1d: {  	s19 =	sadd.s32 $0x400, s19  }
0x1e: {  	[hbm4b:s19+s14] =	stream.strided.scatter [tilespmem:s10], [sflag:$0x2], $0x1000, s13, s14, $0x38;
	[tilespmem:$0x12000] =	vst v63  }
0x1f: {  	s29 =	sadd.s32 $0xFFFFF000, s8  }
0x20: {  	[tilespmem:s15], [sflag:$0x1] =	stream.linear.gather [hbm4b:s29+s2], $0x8000, $0x38;
	[tilespmem:$0x12000] =	vst v63  }
0x21: {  	s30 =	sadd.s32 $0xFFFFFE00, s7  }
0x22: {  	[tilespmem:s16], [sflag:$0x1] =	stream.linear.gather [hbm4b:s30+s2], $0x1000, $0x38;
	[tilespmem:$0x12000] =	vst v63  }
0x23: {  	_ =	swait.ge [sflag:s17], $0x8000  }
0x24: {  	[sflag:s17] =	ssyncset.done $0x0  }
0x25: {  	[sflag:s17] =	ssyncadd.s32 $0xFFFF8000  }
0x26: {  	_ =	swait.ge [sflag:s17], $0x1000  }
0x27: {  	[sflag:s17] =	ssyncset.done $0x0  }
0x28: {  	[sflag:s17] =	ssyncadd.s32 $0xFFFFF000  }
0x29: {  	_ =	swait.ge [sflag:s11], $0x8000  }
0x2a: {  	[sflag:s11] =	ssyncset.done $0x0  }
0x2b: {  	[sflag:s11] =	ssyncadd.s32 $0xFFFF8000  }
0x2c: {  	_ =	swait.ge [sflag:s11], $0x1000  }
0x2d: {  	[sflag:s11] =	ssyncset.done $0x0  }
0x2e: {  	s31 =	sadd.s32 $0x0, s9;
	[sflag:s11] =	ssyncadd.s32 $0xFFFFF000  }
0x2f: {  	[hbm4b:s31+s12] =	stream.strided.scatter [tilespmem:s15], [sflag:$0x2], $0x8000, s13, s12, $0x38;
	[tilespmem:$0x12000] =	vst v63  }
0x30: {  	p0 =	por $0x0, $0x0;
	s19 =	sadd.s32 $0x400, s31  }
0x31: {  	[hbm4b:s19+s14] =	stream.strided.scatter [tilespmem:s16], [sflag:$0x2], $0x1000, s13, s14, $0x38;
	[tilespmem:$0x12000] =	vst v63  }
0x32: {  	s19 =	simm.s32 @!p0 $0x0  }
0x33: {  	[tilespmem:s19], [sflag:$0x1] =	stream.linear.gather @!p0 [hbm4b:s8+s19], $0x8000, $0x38;
	[tilespmem:$0x12000] =	vst v63  }
0x34: {  	s20 =	simm.s32 @!p0 $0x10000  }
0x35: {  	[tilespmem:s20], [sflag:$0x1] =	stream.linear.gather @!p0 [hbm4b:s7+s19], $0x1000, $0x38;
	[tilespmem:$0x12000] =	vst v63  }
0x36: {  	_ =	swait.ge [sflag:s17], $0x8000  }
0x37: {  	[sflag:s17] =	ssyncset.done $0x0  }
0x38: {  	[sflag:s17] =	ssyncadd.s32 $0xFFFF8000  }
0x39: {  	s21 =	smov.u32 s7;
	_ =	swait.ge [sflag:s17], $0x1000  }
0x3a: {  	s19 =	simm.s32 $0x2400;
	s20 =	sadd.s32 $0x2000, s8;
	[sflag:s17] =	ssyncset.done $0x0  }
.LBB2_2:
0x3b: {  	[sflag:s17] =	ssyncadd.s32 $0xFFFFF000  }
0x3c: {  	s21 =	sadd.s32 $0x400, s21;
	s22 =	smov.u32 s19;
	s19 =	sadd.s32 $0x2400, s19  }
0x3d: {  	_ =	swait.ge [sflag:s11], $0x8000;
	p0 =	sne.s32 s19, $0x24000  }
0x3e: {  	[sflag:s11] =	ssyncset.done $0x0  }
0x3f: {  	[sflag:s11] =	ssyncadd.s32 $0xFFFF8000  }
0x40: {  	_ =	swait.ge [sflag:s11], $0x1000  }
0x41: {  	[sflag:s11] =	ssyncset.done $0x0  }
0x42: {  	s23 =	sadd.s32 s22, s6;
	[sflag:s11] =	ssyncadd.s32 $0xFFFFF000  }
0x43: {  	[hbm4b:s23+s12] =	stream.strided.scatter [tilespmem:s2], [sflag:$0x2], $0x8000, s13, s12, $0x38;
	[tilespmem:$0x12000] =	vst v63  }
0x44: {  	s23 =	sadd.s32 $0x400, s23  }
0x45: {  	[hbm4b:s23+s14] =	stream.strided.scatter [tilespmem:s10], [sflag:$0x2], $0x1000, s13, s14, $0x38;
	[tilespmem:$0x12000] =	vst v63  }
0x46: {  	s23 =	sadd.s32 $0xFFFFF000, s20  }
0x47: {  	[tilespmem:s15], [sflag:$0x1] =	stream.linear.gather [hbm4b:s23+s2], $0x8000, $0x38;
	[tilespmem:$0x12000] =	vst v63  }
0x48: {  	s23 =	sadd.s32 $0xFFFFFE00, s21  }
0x49: {  	[tilespmem:s16], [sflag:$0x1] =	stream.linear.gather [hbm4b:s23+s2], $0x1000, $0x38;
	[tilespmem:$0x12000] =	vst v63  }
0x4a: {  	_ =	swait.ge [sflag:s17], $0x8000  }
0x4b: {  	[sflag:s17] =	ssyncset.done $0x0  }
0x4c: {  	[sflag:s17] =	ssyncadd.s32 $0xFFFF8000  }
0x4d: {  	_ =	swait.ge [sflag:s17], $0x1000  }
0x4e: {  	[sflag:s17] =	ssyncset.done $0x0  }
0x4f: {  	[sflag:s17] =	ssyncadd.s32 $0xFFFFF000  }
0x50: {  	_ =	swait.ge [sflag:s11], $0x8000  }
0x51: {  	[sflag:s11] =	ssyncset.done $0x0  }
0x52: {  	[sflag:s11] =	ssyncadd.s32 $0xFFFF8000  }
0x53: {  	_ =	swait.ge [sflag:s11], $0x1000  }
0x54: {  	[sflag:s11] =	ssyncset.done $0x0  }
0x55: {  	s23 =	sadd.s32 s22, s9;
	[sflag:s11] =	ssyncadd.s32 $0xFFFFF000  }
0x56: {  	[hbm4b:s23+s12] =	stream.strided.scatter [tilespmem:s15], [sflag:$0x2], $0x8000, s13, s12, $0x38;
	[tilespmem:$0x12000] =	vst v63  }
0x57: {  	p1 =	seq.s32 s22, $0x21C00;
	s23 =	sadd.s32 $0x400, s23  }
0x58: {  	[hbm4b:s23+s14] =	stream.strided.scatter [tilespmem:s16], [sflag:$0x2], $0x1000, s13, s14, $0x38;
	[tilespmem:$0x12000] =	vst v63  }
0x59: {  	s22 =	simm.s32 @!p1 $0x0  }
0x5a: {  	[tilespmem:s22], [sflag:$0x1] =	stream.linear.gather @!p1 [hbm4b:s20+s22], $0x8000, $0x38;
	[tilespmem:$0x12000] =	vst v63  }
0x5b: {  	s23 =	simm.s32 @!p1 $0x10000  }
0x5c: {  	[tilespmem:s23], [sflag:$0x1] =	stream.linear.gather @!p1 [hbm4b:s21+s22], $0x1000, $0x38;
	[tilespmem:$0x12000] =	vst v63  }
.Ltmp0:
0x5d: {  	_ =	swait.ge [sflag:s17], $0x8000;
	(pc) =	sbr.rel @p0 .LBB2_2-.Ltmp0, $4  }
0x5e: {  	[sflag:s17] =	ssyncset.done $0x0  }
0x5f: {  	[sflag:s17] =	ssyncadd.s32 $0xFFFF8000  }
0x60: {  	_ =	swait.ge [sflag:s17], $0x1000  }
0x61: {  	s20 =	sadd.s32 $0x2000, s20;
	[sflag:s17] =	ssyncset.done $0x0  }
0x62: {  	s18 =	sadd.s32 $0x1, s18  }
0x63: {  	p0 =	sne.s32 s18, s5  }
.Ltmp1:
0x64: {  	_ = 	snop;
	(pc) =	sbr.rel @p0 .LBB2_1-.Ltmp1, $2  }
0x65: {  	_ =	sdelay $0x2  }
0x66: {  	[sflag:s17] =	ssyncadd.s32 $0xFFFFF000  }
0x67: {  	_ =	sfence.sel $0x180000  }
0x68: {  	[bflag:$0x0] =	sbarrier.arrive $0xFFFF  }
0x69: {  	p0 =	sne.s32 s1, $0x0;
	_ =	strace $0x90000047  }
0x6a: {  	s0 =	sadd.s32 @!p0 $0x100000, s0;
	[bflag:$0x2] =	sbarrier.arrive $0xFFFF  }
0x6b: {  	[sflag:s0] =	ssyncadd.tile.s32 @!p0 $0x1;
	_ =	shalt  }
.Lfunc_end2:
_tile_overlayer_lowered:
.L_overlay_start_2:
0x6c: {  	(tag) =	ssettag $0x2  }
0x6d: {  	s0 =	rddreg [dreg:$0x0];
	s2 =	stileid.u32  }
0x6e: {  	s1 =	rddreg [dreg:$0x1];
	p0 =	sne.s32 s2, $0x0  }
0x6f: {  	s3 =	rddreg [dreg:$0x2];
	[bflag:$0x3] =	sbarrier.arrive $0xFFFF;
	s2 =	simm.s32 @!p0 $0x1C03  }
0x70: {  	[timem:s3], [sflag:s2] =	dma.local @!p0 [hbm:s0], s1  }
0x71: {  	s0 =	simm.s32 @!p0 $0x3  }
0x72: {  	_ =	swait.ge @!p0 [sflag:s0], s1  }
0x73: {  	s1 =	ssub.s32 @!p0 $0x0, s1;
	[sflag:s0] =	ssyncset.done @!p0 $0x0  }
0x74: {  	[sflag:s0] =	ssyncadd.s32 @!p0 s1  }
0x75: {  	[bflag:$0x3] =	sbarrier.arrive $0xFFFF  }
0x76: {  	_ =	shalt  }

</sc_bundles>
